<compile_context>
chip_gen: v7x
topology: tpu7x:2x2x1
jax: 0.10.2.dev20260603
libtpu: 0.0.44.dev20260713+nightly
codegen_flags: <defaults>
</compile_context>

<pallas_src>
import functools
import jax
import jax.numpy as jnp
from jax import lax
from jax.experimental import pallas as pl
from jax.experimental.pallas import tpu as pltpu
from jax.experimental.pallas import tpu_sc as plsc

C_CONST = 1000.0
CUT = 0.5
LO = lax.Precision.DEFAULT


def _sort_key(v):
    b = lax.bitcast_convert_type(v, jnp.int32)
    return jnp.where(b >= 0, b, b ^ jnp.int32(0x7FFFFFFF))


def _order_body(vrow_ref, vcol_ref, rank_ref, gidx_ref):
    n = vrow_ref.shape[2]
    krow = _sort_key(vrow_ref[0])
    kcol = _sort_key(vcol_ref[0])
    i_col = lax.broadcasted_iota(jnp.int32, (n, n), 0)
    j_row = lax.broadcasted_iota(jnp.int32, (n, n), 1)
    beats = (kcol > krow) | ((kcol == krow) & (i_col < j_row))
    beats_i = beats.astype(jnp.int32)
    rank = jnp.sum(beats_i, axis=0, keepdims=True)
    rank_col = (n - 1) - jnp.sum(beats_i, axis=1, keepdims=True)
    o_row = lax.broadcasted_iota(jnp.int32, (n, n), 1)
    g = (rank_col == o_row).astype(jnp.int32)
    j_col = lax.broadcasted_iota(jnp.int32, (n, n), 0)
    order = jnp.sum(g * j_col, axis=0, keepdims=True)
    rank_ref[0] = rank
    gidx_ref[0] = order + pl.program_id(0) * n


def _make_sc_gather(rows_total, d, rows_per_w, chunk):
    info = plsc.get_sparse_core_info()
    nw = info.num_cores * info.num_subcores
    assert rows_per_w * nw == rows_total
    n_chunks = rows_per_w // chunk
    mesh = plsc.VectorSubcoreMesh(core_axis_name="c", subcore_axis_name="s")

    assert n_chunks % 2 == 0

    @functools.partial(
        pl.kernel, mesh=mesh,
        out_type=jax.ShapeDtypeStruct((rows_total, d), jnp.float32),
        scratch_types=[
            pltpu.VMEM((chunk,), jnp.int32),
            pltpu.VMEM((chunk,), jnp.int32),
            pltpu.VMEM((chunk, d), jnp.float32),
            pltpu.VMEM((chunk, d), jnp.float32),
            pltpu.SemaphoreType.DMA,
            pltpu.SemaphoreType.DMA,
        ],
    )
    def sc_gather(table_hbm, idx_hbm, out_hbm, idx_a, idx_b, rows_a, rows_b,
                  sem_a, sem_b):
        wid = lax.axis_index("s") * info.num_cores + lax.axis_index("c")
        base = wid * rows_per_w

        def body(i, carry):
            offa = base + (2 * i) * chunk
            offb = offa + chunk
            pltpu.sync_copy(idx_hbm.at[pl.ds(offa, chunk)], idx_a)
            cpa = pltpu.async_copy(table_hbm.at[idx_a], rows_a, sem_a)
            pltpu.sync_copy(idx_hbm.at[pl.ds(offb, chunk)], idx_b)
            cpb = pltpu.async_copy(table_hbm.at[idx_b], rows_b, sem_b)
            cpa.wait()
            pltpu.sync_copy(rows_a, out_hbm.at[pl.ds(offa, chunk)])
            cpb.wait()
            pltpu.sync_copy(rows_b, out_hbm.at[pl.ds(offb, chunk)])
            return carry

        lax.fori_loop(0, n_chunks // 2, body, 0)

    return sc_gather


def _a_body(rank_ref, a_ref, out_ref):
    a = a_ref[0]
    n = a.shape[0]
    og = n // 2
    rank = rank_ref[0]
    o_col = lax.broadcasted_iota(jnp.int32, (og, n), 0)
    s = ((rank // 2) == o_col).astype(jnp.bfloat16)
    a1 = a.astype(jnp.bfloat16)
    a2 = (a - a1.astype(jnp.float32)).astype(jnp.bfloat16)
    rowsum = (lax.dot_general(s, a1, (((1,), (0,)), ((), ())),
                              preferred_element_type=jnp.float32)
              + lax.dot_general(s, a2, (((1,), (0,)), ((), ())),
                                preferred_element_type=jnp.float32))
    r1 = rowsum.astype(jnp.bfloat16)
    r2 = (rowsum - r1.astype(jnp.float32)).astype(jnp.bfloat16)
    am = 0.25 * (lax.dot_general(r1, s, (((1,), (1,)), ((), ())),
                                 preferred_element_type=jnp.float32)
                 + lax.dot_general(r2, s, (((1,), (1,)), ((), ())),
                                   preferred_element_type=jnp.float32))
    t = C_CONST * (am - CUT)
    out_ref[0] = jnp.maximum(1.0 + t, 0.0) - jnp.maximum(t, 0.0)


def _x_body(xs_ref, w_ref, out_ref):
    out_ref[0] = lax.dot_general(xs_ref[0], w_ref[...], (((1,), (0,)), ((), ())),
                                 preferred_element_type=jnp.float32, precision=LO)


def kernel(A, x, trafo):
    b, n, p = x.shape
    og = n // 2
    po = trafo.shape[1]
    values = x[:, :, -1]
    vrow = values.reshape(b, 1, n)
    vcol = values.reshape(b, n, 1)

    rank, gidx = pl.pallas_call(
        _order_body,
        grid=(b,),
        in_specs=[
            pl.BlockSpec((1, 1, n), lambda i: (i, 0, 0)),
            pl.BlockSpec((1, n, 1), lambda i: (i, 0, 0)),
        ],
        out_specs=[
            pl.BlockSpec((1, 1, n), lambda i: (i, 0, 0)),
            pl.BlockSpec((1, 1, n), lambda i: (i, 0, 0)),
        ],
        out_shape=[
            jax.ShapeDtypeStruct((b, 1, n), jnp.int32),
            jax.ShapeDtypeStruct((b, 1, n), jnp.int32),
        ],
    )(vrow, vcol)

    ar = pl.pallas_call(
        _a_body,
        grid=(b,),
        in_specs=[
            pl.BlockSpec((1, 1, n), lambda i: (i, 0, 0)),
            pl.BlockSpec((1, n, n), lambda i: (i, 0, 0)),
        ],
        out_specs=pl.BlockSpec((1, og, og), lambda i: (i, 0, 0)),
        out_shape=jax.ShapeDtypeStruct((b, og, og), jnp.float32),
    )(rank, A)

    rows_total = b * n
    sc_gather = _make_sc_gather(rows_total, p, rows_total // 32, 32)
    xs2d = sc_gather(x.reshape(rows_total, p), gidx.reshape(rows_total))
    xs = xs2d.reshape(b, og, 2 * p)

    traf = pl.pallas_call(
        _x_body,
        grid=(b,),
        in_specs=[
            pl.BlockSpec((1, og, 2 * p), lambda i: (i, 0, 0)),
            pl.BlockSpec((2 * p, po), lambda i: (0, 0)),
        ],
        out_specs=pl.BlockSpec((1, og, po), lambda i: (i, 0, 0)),
        out_shape=jax.ShapeDtypeStruct((b, og, po), jnp.float32),
    )(xs, trafo)

    return ar, traf

# --- scband reference (transcript-rebuilt; emitter-appended) ---
"""Pipeline reference for scband-gcomgpool-62826781606164 (READ-ONLY COPY).

The authoritative reference and input builder live on the scoring server;
editing this copy changes nothing except your own understanding.
"""

import jax, jax.numpy as jnp
import numpy as np

B = 32
GS = 1024
PARAM = 1024
PARAMO = 1024
C = 2
OGS = GS // C
CUT = 0.5
C_CONST = 1000.0


def setup_inputs(seed: int = 0) -> dict:
    key = jax.random.key(seed)
    kA, kx, kw = jax.random.split(key, 3)
    A = jax.random.uniform(kA, (B, GS, GS), dtype=jnp.float32)
    x = jax.random.normal(kx, (B, GS, PARAM), dtype=jnp.float32)
    # glorot_uniform for trafo: shape (param*c, paramo)
    limit = float(np.sqrt(6.0 / (PARAM * C + PARAMO)))
    trafo = jax.random.uniform(kw, (PARAM * C, PARAMO), minval=-limit, maxval=limit, dtype=jnp.float32)
    return {"A": A, "x": x, "trafo": trafo}


def reference(A, x, trafo):
    # values = last feature column per node
    values = x[:, :, -1]
    # top_k over all gs nodes (k == N) -> descending sort order of nodes
    _, valueorder = jax.lax.top_k(values, GS)
    # batched gather of node features by sorted order
    xg = jnp.take_along_axis(x, valueorder[:, :, None], axis=1)
    xs = xg.reshape(-1, OGS, PARAM * C)
    # K.dot over last axis
    traf = jnp.einsum('bop,pq->boq', xs, trafo)
    # batched gather of adjacency rows then columns by sorted order
    At1 = jnp.take_along_axis(A, valueorder[:, :, None], axis=1)
    At2 = jnp.take_along_axis(At1, valueorder[:, None, :], axis=2)
    Ar = At2.reshape(-1, OGS, C, OGS, C)
    Am = jnp.mean(Ar, axis=(2, 4))  # mode == 'mean'
    Ar_out = jax.nn.relu(1.0 + C_CONST * (Am - CUT)) - jax.nn.relu(C_CONST * (Am - CUT))
    return (Ar_out, traf)

if __name__ == "__main__":
    import jax
    _d = setup_inputs()
    print(jax.jit(kernel)(*tuple(_d.values())))

</pallas_src>

<mosaic_0001>
#map = affine_map<(d0, d1) -> (0, 0)>
#map1 = affine_map<(d0, d1) -> (0)>
module attributes {stable_mosaic.version = 14 : i64} {
  func.func @sc_gather(%arg0: i32, %arg1: i32, %arg2: memref<32768x1024xf32, #tpu.memory_space<hbm>>, %arg3: memref<32768xi32, #tpu.memory_space<hbm>>, %arg4: memref<32768x1024xf32, #tpu.memory_space<hbm>>, %arg5: memref<32xi32, #tpu.memory_space<vmem>>, %arg6: memref<32xi32, #tpu.memory_space<vmem>>, %arg7: memref<32x1024xf32, #tpu.memory_space<vmem>>, %arg8: memref<32x1024xf32, #tpu.memory_space<vmem>>, %arg9: memref<!tpu.dma_semaphore, #tpu.memory_space<semaphore_mem>>, %arg10: memref<!tpu.dma_semaphore, #tpu.memory_space<semaphore_mem>>) attributes {dimension_semantics = [#tpu.dimension_semantics<core_parallel>, #tpu.dimension_semantics<subcore_parallel>], iteration_bounds = array<i64: 2, 16>, scalar_prefetch = 0 : i64, scratch_operands = 6 : i64, tpu.core_type = #tpu.core_type<sc_vector_subcore>, window_params = [{transform_indices = #map}, {transform_indices = #map1}, {transform_indices = #map}]} {
    %mul3A = arith.constant 2 : i32
    %mul3A_0 = arith.muli %arg1, %mul3A : i32
    %add3A = arith.addi %mul3A_0, %arg0 : i32
    %mul3A_1 = arith.constant 1024 : i32
    %mul3A_2 = arith.muli %add3A, %mul3A_1 : i32
    %scan3A = arith.constant 0 : i32
    %scan3A_3 = arith.constant 0 : i32
    %scan3A_4 = arith.constant 16 : i32
    %scan3A_5 = arith.addi %scan3A_3, %scan3A_4 : i32
    %scan3A_6 = arith.constant 1 : i32
    scf.for %scan3A_8 = %scan3A_3 to %scan3A_5 step %scan3A_6  : i32 {
      %mul3A_9 = arith.constant 2 : i32
      %mul3A_10 = arith.muli %mul3A_9, %scan3A_8 : i32
      %mul3A_11 = arith.constant 32 : i32
      %mul3A_12 = arith.muli %mul3A_10, %mul3A_11 : i32
      %add3A_13 = arith.addi %mul3A_2, %mul3A_12 : i32
      %add3A_14 = arith.constant 32 : i32
      %add3A_15 = arith.addi %add3A_13, %add3A_14 : i32
      "tpu.region"() ({
        %run_scoped3A = tpu.sem_alloc : memref<!tpu.dma_semaphore, #tpu.memory_space<semaphore_mem>>
        %dma_start3A_26 = tpu.memref_slice %arg3[%add3A_13] : memref<32768xi32, #tpu.memory_space<hbm>> -> memref<32xi32, #tpu.memory_space<hbm>>
        %dma_start3A_27 = tpu.memref_slice %arg3[%add3A_13] : memref<32768xi32, #tpu.memory_space<hbm>> -> memref<32xi32, #tpu.memory_space<hbm>>
        tpu.enqueue_dma source(%dma_start3A_27 : memref<32xi32, #tpu.memory_space<hbm>>) target(%arg5 : memref<32xi32, #tpu.memory_space<vmem>>) target_semaphore(%run_scoped3A : memref<!tpu.dma_semaphore, #tpu.memory_space<semaphore_mem>>)
        %dma_wait3A_28 = tpu.memref_slice %arg3[%add3A_13] : memref<32768xi32, #tpu.memory_space<hbm>> -> memref<32xi32, #tpu.memory_space<hbm>>
        %dma_wait3A_29 = tpu.memref_slice %arg3[%add3A_13] : memref<32768xi32, #tpu.memory_space<hbm>> -> memref<32xi32, #tpu.memory_space<hbm>>
        tpu.wait_dma2 semaphore(%run_scoped3A : memref<!tpu.dma_semaphore, #tpu.memory_space<semaphore_mem>>) src(%dma_wait3A_29 : memref<32xi32, #tpu.memory_space<hbm>>) dst(%arg5 : memref<32xi32, #tpu.memory_space<vmem>>)
        tpu.yield
      }) : () -> ()
      %dma_start3A = arith.constant 0 : i32
      %dma_start3A_16 = arith.constant 0 : i32
      %dma_start3A_17 = tpu.memref_slice %arg2[%dma_start3A, %dma_start3A_16] : memref<32768x1024xf32, #tpu.memory_space<hbm>> -> memref<32768x1024xf32, #tpu.memory_space<hbm>>
      tpu.enqueue_indirect_dma source(%dma_start3A_17 : memref<32768x1024xf32, #tpu.memory_space<hbm>>) target(%arg7 : memref<32x1024xf32, #tpu.memory_space<vmem>>) offsets(%arg5 : memref<32xi32, #tpu.memory_space<vmem>>) semaphore(%arg9 : memref<!tpu.dma_semaphore, #tpu.memory_space<semaphore_mem>>)
      "tpu.region"() ({
        %run_scoped3A = tpu.sem_alloc : memref<!tpu.dma_semaphore, #tpu.memory_space<semaphore_mem>>
        %dma_start3A_26 = tpu.memref_slice %arg3[%add3A_15] : memref<32768xi32, #tpu.memory_space<hbm>> -> memref<32xi32, #tpu.memory_space<hbm>>
        %dma_start3A_27 = tpu.memref_slice %arg3[%add3A_15] : memref<32768xi32, #tpu.memory_space<hbm>> -> memref<32xi32, #tpu.memory_space<hbm>>
        tpu.enqueue_dma source(%dma_start3A_27 : memref<32xi32, #tpu.memory_space<hbm>>) target(%arg6 : memref<32xi32, #tpu.memory_space<vmem>>) target_semaphore(%run_scoped3A : memref<!tpu.dma_semaphore, #tpu.memory_space<semaphore_mem>>)
        %dma_wait3A_28 = tpu.memref_slice %arg3[%add3A_15] : memref<32768xi32, #tpu.memory_space<hbm>> -> memref<32xi32, #tpu.memory_space<hbm>>
        %dma_wait3A_29 = tpu.memref_slice %arg3[%add3A_15] : memref<32768xi32, #tpu.memory_space<hbm>> -> memref<32xi32, #tpu.memory_space<hbm>>
        tpu.wait_dma2 semaphore(%run_scoped3A : memref<!tpu.dma_semaphore, #tpu.memory_space<semaphore_mem>>) src(%dma_wait3A_29 : memref<32xi32, #tpu.memory_space<hbm>>) dst(%arg6 : memref<32xi32, #tpu.memory_space<vmem>>)
        tpu.yield
      }) : () -> ()
      %dma_start3A_18 = arith.constant 0 : i32
      %dma_start3A_19 = arith.constant 0 : i32
      %dma_start3A_20 = tpu.memref_slice %arg2[%dma_start3A_18, %dma_start3A_19] : memref<32768x1024xf32, #tpu.memory_space<hbm>> -> memref<32768x1024xf32, #tpu.memory_space<hbm>>
      tpu.enqueue_indirect_dma source(%dma_start3A_20 : memref<32768x1024xf32, #tpu.memory_space<hbm>>) target(%arg8 : memref<32x1024xf32, #tpu.memory_space<vmem>>) offsets(%arg6 : memref<32xi32, #tpu.memory_space<vmem>>) semaphore(%arg10 : memref<!tpu.dma_semaphore, #tpu.memory_space<semaphore_mem>>)
      %dma_wait3A = arith.constant 0 : i32
      %dma_wait3A_21 = arith.constant 0 : i32
      %dma_wait3A_22 = tpu.memref_slice %arg2[%dma_wait3A, %dma_wait3A_21] : memref<32768x1024xf32, #tpu.memory_space<hbm>> -> memref<32768x1024xf32, #tpu.memory_space<hbm>>
      tpu.wait_indirect_dma semaphore(%arg9 : memref<!tpu.dma_semaphore, #tpu.memory_space<semaphore_mem>>) src(%dma_wait3A_22 : memref<32768x1024xf32, #tpu.memory_space<hbm>>) dst(%arg7 : memref<32x1024xf32, #tpu.memory_space<vmem>>)
      "tpu.region"() ({
        %run_scoped3A = tpu.sem_alloc : memref<!tpu.dma_semaphore, #tpu.memory_space<semaphore_mem>>
        %dma_start3A_26 = arith.constant 0 : i32
        %dma_start3A_27 = tpu.memref_slice %arg4[%add3A_13, %dma_start3A_26] : memref<32768x1024xf32, #tpu.memory_space<hbm>> -> memref<32x1024xf32, #tpu.memory_space<hbm>>
        %dma_start3A_28 = arith.constant 0 : i32
        %dma_start3A_29 = tpu.memref_slice %arg4[%add3A_13, %dma_start3A_28] : memref<32768x1024xf32, #tpu.memory_space<hbm>> -> memref<32x1024xf32, #tpu.memory_space<hbm>>
        tpu.enqueue_dma source(%arg7 : memref<32x1024xf32, #tpu.memory_space<vmem>>) target(%dma_start3A_29 : memref<32x1024xf32, #tpu.memory_space<hbm>>) target_semaphore(%run_scoped3A : memref<!tpu.dma_semaphore, #tpu.memory_space<semaphore_mem>>)
        %dma_wait3A_30 = arith.constant 0 : i32
        %dma_wait3A_31 = tpu.memref_slice %arg4[%add3A_13, %dma_wait3A_30] : memref<32768x1024xf32, #tpu.memory_space<hbm>> -> memref<32x1024xf32, #tpu.memory_space<hbm>>
        %dma_wait3A_32 = arith.constant 0 : i32
        %dma_wait3A_33 = tpu.memref_slice %arg4[%add3A_13, %dma_wait3A_32] : memref<32768x1024xf32, #tpu.memory_space<hbm>> -> memref<32x1024xf32, #tpu.memory_space<hbm>>
        tpu.wait_dma2 semaphore(%run_scoped3A : memref<!tpu.dma_semaphore, #tpu.memory_space<semaphore_mem>>) src(%arg7 : memref<32x1024xf32, #tpu.memory_space<vmem>>) dst(%dma_wait3A_33 : memref<32x1024xf32, #tpu.memory_space<hbm>>)
        tpu.yield
      }) : () -> ()
      %dma_wait3A_23 = arith.constant 0 : i32
      %dma_wait3A_24 = arith.constant 0 : i32
      %dma_wait3A_25 = tpu.memref_slice %arg2[%dma_wait3A_23, %dma_wait3A_24] : memref<32768x1024xf32, #tpu.memory_space<hbm>> -> memref<32768x1024xf32, #tpu.memory_space<hbm>>
      tpu.wait_indirect_dma semaphore(%arg10 : memref<!tpu.dma_semaphore, #tpu.memory_space<semaphore_mem>>) src(%dma_wait3A_25 : memref<32768x1024xf32, #tpu.memory_space<hbm>>) dst(%arg8 : memref<32x1024xf32, #tpu.memory_space<vmem>>)
      "tpu.region"() ({
        %run_scoped3A = tpu.sem_alloc : memref<!tpu.dma_semaphore, #tpu.memory_space<semaphore_mem>>
        %dma_start3A_26 = arith.constant 0 : i32
        %dma_start3A_27 = tpu.memref_slice %arg4[%add3A_15, %dma_start3A_26] : memref<32768x1024xf32, #tpu.memory_space<hbm>> -> memref<32x1024xf32, #tpu.memory_space<hbm>>
        %dma_start3A_28 = arith.constant 0 : i32
        %dma_start3A_29 = tpu.memref_slice %arg4[%add3A_15, %dma_start3A_28] : memref<32768x1024xf32, #tpu.memory_space<hbm>> -> memref<32x1024xf32, #tpu.memory_space<hbm>>
        tpu.enqueue_dma source(%arg8 : memref<32x1024xf32, #tpu.memory_space<vmem>>) target(%dma_start3A_29 : memref<32x1024xf32, #tpu.memory_space<hbm>>) target_semaphore(%run_scoped3A : memref<!tpu.dma_semaphore, #tpu.memory_space<semaphore_mem>>)
        %dma_wait3A_30 = arith.constant 0 : i32
        %dma_wait3A_31 = tpu.memref_slice %arg4[%add3A_15, %dma_wait3A_30] : memref<32768x1024xf32, #tpu.memory_space<hbm>> -> memref<32x1024xf32, #tpu.memory_space<hbm>>
        %dma_wait3A_32 = arith.constant 0 : i32
        %dma_wait3A_33 = tpu.memref_slice %arg4[%add3A_15, %dma_wait3A_32] : memref<32768x1024xf32, #tpu.memory_space<hbm>> -> memref<32x1024xf32, #tpu.memory_space<hbm>>
        tpu.wait_dma2 semaphore(%run_scoped3A : memref<!tpu.dma_semaphore, #tpu.memory_space<semaphore_mem>>) src(%arg8 : memref<32x1024xf32, #tpu.memory_space<vmem>>) dst(%dma_wait3A_33 : memref<32x1024xf32, #tpu.memory_space<hbm>>)
        tpu.yield
      }) : () -> ()
    }
    %scan3A_7 = arith.constant 16 : i32
    return
  }
}

module attributes {stable_mosaic.version = 14 : i64} {
  func.func @_order_body(%arg0: i32, %arg1: memref<1x1x1024xf32, #tpu.memory_space<vmem>>, %arg2: memref<1x1024x1xf32, #tpu.memory_space<vmem>>, %arg3: memref<1x1x1024xi32, #tpu.memory_space<vmem>>, %arg4: memref<1x1x1024xi32, #tpu.memory_space<vmem>>) attributes {dimension_semantics = [#tpu.dimension_semantics<arbitrary>], iteration_bounds = array<i64: 32>, scalar_prefetch = 0 : i64, scratch_operands = 0 : i64, tpu.core_type = #tpu.core_type<tc>, window_params = [{transform_indices = @transform_0, window_bounds = array<i64: 1, 1, 1024>}, {transform_indices = @transform_1, window_bounds = array<i64: 1, 1024, 1>}, {transform_indices = @transform_2, window_bounds = array<i64: 1, 1, 1024>}, {transform_indices = @transform_3, window_bounds = array<i64: 1, 1, 1024>}]} {
    %get3A = arith.constant 0 : index
    %get3A_0 = arith.constant 0 : index
    %get3A_1 = arith.constant 0 : index
    %get3A_2 = vector.load %arg1[%get3A, %get3A_0, %get3A_1] : memref<1x1x1024xf32, #tpu.memory_space<vmem>>, vector<1x1x1024xf32>
    %get3A_3 = vector.shape_cast %get3A_2 : vector<1x1x1024xf32> to vector<1x1024xf32>
    %bitcast_convert_type3A = tpu.bitcast %get3A_3 : vector<1x1024xf32> -> vector<1x1024xi32>
    %ge3A = arith.constant 0 : i32
    %ge3A_4 = vector.broadcast %ge3A : i32 to vector<1x1024xi32>
    %ge3A_5 = arith.cmpi sge, %bitcast_convert_type3A, %ge3A_4 : vector<1x1024xi32>
    %xor3A = arith.constant 2147483647 : i32
    %xor3A_6 = vector.broadcast %xor3A : i32 to vector<1x1024xi32>
    %xor3A_7 = arith.xori %bitcast_convert_type3A, %xor3A_6 : vector<1x1024xi32>
    %select_n3A = arith.select %ge3A_5, %bitcast_convert_type3A, %xor3A_7 : vector<1x1024xi1>, vector<1x1024xi32>
    %get3A_8 = arith.constant 0 : index
    %get3A_9 = arith.constant 0 : index
    %get3A_10 = arith.constant 0 : index
    %get3A_11 = vector.load %arg2[%get3A_8, %get3A_9, %get3A_10] : memref<1x1024x1xf32, #tpu.memory_space<vmem>>, vector<1x1024x1xf32>
    %get3A_12 = vector.shape_cast %get3A_11 : vector<1x1024x1xf32> to vector<1024x1xf32>
    %bitcast_convert_type3A_13 = tpu.bitcast %get3A_12 : vector<1024x1xf32> -> vector<1024x1xi32>
    %ge3A_14 = arith.constant 0 : i32
    %ge3A_15 = vector.broadcast %ge3A_14 : i32 to vector<1024x1xi32>
    %ge3A_16 = arith.cmpi sge, %bitcast_convert_type3A_13, %ge3A_15 : vector<1024x1xi32>
    %xor3A_17 = arith.constant 2147483647 : i32
    %xor3A_18 = vector.broadcast %xor3A_17 : i32 to vector<1024x1xi32>
    %xor3A_19 = arith.xori %bitcast_convert_type3A_13, %xor3A_18 : vector<1024x1xi32>
    %select_n3A_20 = arith.select %ge3A_16, %bitcast_convert_type3A_13, %xor3A_19 : vector<1024x1xi1>, vector<1024x1xi32>
    %iota3A = tpu.iota {dimensions = array<i32: 0>} : vector<1024x1024xi32>
    %iota3A_21 = tpu.iota {dimensions = array<i32: 1>} : vector<1024x1024xi32>
    %gt3A = vector.broadcast %select_n3A_20 : vector<1024x1xi32> to vector<1024x1024xi32>
    %gt3A_22 = vector.broadcast %select_n3A : vector<1x1024xi32> to vector<1024x1024xi32>
    %gt3A_23 = arith.cmpi sgt, %gt3A, %gt3A_22 : vector<1024x1024xi32>
    %eq3A = vector.broadcast %select_n3A_20 : vector<1024x1xi32> to vector<1024x1024xi32>
    %eq3A_24 = vector.broadcast %select_n3A : vector<1x1024xi32> to vector<1024x1024xi32>
    %eq3A_25 = arith.cmpi eq, %eq3A, %eq3A_24 : vector<1024x1024xi32>
    %lt3A = arith.cmpi slt, %iota3A, %iota3A_21 : vector<1024x1024xi32>
    %and3A = arith.andi %eq3A_25, %lt3A : vector<1024x1024xi1>
    %or3A = arith.ori %gt3A_23, %and3A : vector<1024x1024xi1>
    %convert_element_type3A = arith.extui %or3A : vector<1024x1024xi1> to vector<1024x1024xi32>
    %reduce_sum3A = arith.constant dense<0> : vector<1024xi32>
    %reduce_sum3A_26 = vector.multi_reduction <add>, %convert_element_type3A, %reduce_sum3A [0] : vector<1024x1024xi32> to vector<1024xi32>
    %broadcast_in_dim3A = vector.shape_cast %reduce_sum3A_26 : vector<1024xi32> to vector<1x1024xi32>
    %reduce_sum3A_27 = arith.constant dense<0> : vector<1024xi32>
    %reduce_sum3A_28 = vector.multi_reduction <add>, %convert_element_type3A, %reduce_sum3A_27 [1] : vector<1024x1024xi32> to vector<1024xi32>
    %broadcast_in_dim3A_29 = vector.shape_cast %reduce_sum3A_28 : vector<1024xi32> to vector<1024x1xi32>
    %sub3A = arith.constant 1023 : i32
    %sub3A_30 = vector.broadcast %sub3A : i32 to vector<1024x1xi32>
    %sub3A_31 = arith.subi %sub3A_30, %broadcast_in_dim3A_29 : vector<1024x1xi32>
    %iota3A_32 = tpu.iota {dimensions = array<i32: 1>} : vector<1024x1024xi32>
    %eq3A_33 = vector.broadcast %sub3A_31 : vector<1024x1xi32> to vector<1024x1024xi32>
    %eq3A_34 = arith.cmpi eq, %eq3A_33, %iota3A_32 : vector<1024x1024xi32>
    %convert_element_type3A_35 = arith.extui %eq3A_34 : vector<1024x1024xi1> to vector<1024x1024xi32>
    %iota3A_36 = tpu.iota {dimensions = array<i32: 0>} : vector<1024x1024xi32>
    %mul3A = arith.muli %convert_element_type3A_35, %iota3A_36 : vector<1024x1024xi32>
    %reduce_sum3A_37 = arith.constant dense<0> : vector<1024xi32>
    %reduce_sum3A_38 = vector.multi_reduction <add>, %mul3A, %reduce_sum3A_37 [0] : vector<1024x1024xi32> to vector<1024xi32>
    %broadcast_in_dim3A_39 = vector.shape_cast %reduce_sum3A_38 : vector<1024xi32> to vector<1x1024xi32>
    %swap3A = arith.constant 0 : index
    %swap3A_40 = arith.constant 0 : index
    %swap3A_41 = arith.constant 0 : index
    %swap3A_42 = vector.load %arg3[%swap3A, %swap3A_40, %swap3A_41] : memref<1x1x1024xi32, #tpu.memory_space<vmem>>, vector<1x1x1024xi32>
    %swap3A_43 = vector.shape_cast %swap3A_42 : vector<1x1x1024xi32> to vector<1x1024xi32>
    %swap3A_44 = vector.shape_cast %broadcast_in_dim3A : vector<1x1024xi32> to vector<1x1x1024xi32>
    tpu.vector_store %arg3[%swap3A, %swap3A_40, %swap3A_41], %swap3A_44 {strides = array<i32>} : memref<1x1x1024xi32, #tpu.memory_space<vmem>>, vector<1x1x1024xi32>,
    %mul3A_45 = arith.constant 1024 : i32
    %mul3A_46 = arith.muli %arg0, %mul3A_45 : i32
    %add3A = vector.broadcast %mul3A_46 : i32 to vector<1x1024xi32>
    %add3A_47 = arith.addi %broadcast_in_dim3A_39, %add3A : vector<1x1024xi32>
    %swap3A_48 = arith.constant 0 : index
    %swap3A_49 = arith.constant 0 : index
    %swap3A_50 = arith.constant 0 : index
    %swap3A_51 = vector.load %arg4[%swap3A_48, %swap3A_49, %swap3A_50] : memref<1x1x1024xi32, #tpu.memory_space<vmem>>, vector<1x1x1024xi32>
    %swap3A_52 = vector.shape_cast %swap3A_51 : vector<1x1x1024xi32> to vector<1x1024xi32>
    %swap3A_53 = vector.shape_cast %add3A_47 : vector<1x1024xi32> to vector<1x1x1024xi32>
    tpu.vector_store %arg4[%swap3A_48, %swap3A_49, %swap3A_50], %swap3A_53 {strides = array<i32>} : memref<1x1x1024xi32, #tpu.memory_space<vmem>>, vector<1x1x1024xi32>,
    return
  }
  func.func @transform_0(%arg0: i32) -> (i32, i32, i32) {
    %c0_i32 = arith.constant 0 : i32
    %c0_i32_0 = arith.constant 0 : i32
    %c0_i32_1 = arith.constant 0 : i32
    return %arg0, %c0_i32, %c0_i32_0 : i32, i32, i32
  }
  func.func @transform_1(%arg0: i32) -> (i32, i32, i32) {
    %c0_i32 = arith.constant 0 : i32
    %c0_i32_0 = arith.constant 0 : i32
    %c0_i32_1 = arith.constant 0 : i32
    return %arg0, %c0_i32, %c0_i32_0 : i32, i32, i32
  }
  func.func @transform_2(%arg0: i32) -> (i32, i32, i32) {
    %c0_i32 = arith.constant 0 : i32
    %c0_i32_0 = arith.constant 0 : i32
    %c0_i32_1 = arith.constant 0 : i32
    return %arg0, %c0_i32, %c0_i32_0 : i32, i32, i32
  }
  func.func @transform_3(%arg0: i32) -> (i32, i32, i32) {
    %c0_i32 = arith.constant 0 : i32
    %c0_i32_0 = arith.constant 0 : i32
    %c0_i32_1 = arith.constant 0 : i32
    return %arg0, %c0_i32, %c0_i32_0 : i32, i32, i32
  }
}

module attributes {stable_mosaic.version = 14 : i64} {
  func.func @_a_body(%arg0: i32, %arg1: memref<1x1x1024xi32, #tpu.memory_space<vmem>>, %arg2: memref<1x1024x1024xf32, #tpu.memory_space<vmem>>, %arg3: memref<1x512x512xf32, #tpu.memory_space<vmem>>) attributes {dimension_semantics = [#tpu.dimension_semantics<arbitrary>], iteration_bounds = array<i64: 32>, scalar_prefetch = 0 : i64, scratch_operands = 0 : i64, tpu.core_type = #tpu.core_type<tc>, window_params = [{transform_indices = @transform_0, window_bounds = array<i64: 1, 1, 1024>}, {transform_indices = @transform_1, window_bounds = array<i64: 1, 1024, 1024>}, {transform_indices = @transform_2, window_bounds = array<i64: 1, 512, 512>}]} {
    %get3A = arith.constant 0 : index
    %get3A_0 = arith.constant 0 : index
    %get3A_1 = arith.constant 0 : index
    %get3A_2 = vector.load %arg2[%get3A, %get3A_0, %get3A_1] : memref<1x1024x1024xf32, #tpu.memory_space<vmem>>, vector<1x1024x1024xf32>
    %get3A_3 = vector.shape_cast %get3A_2 : vector<1x1024x1024xf32> to vector<1024x1024xf32>
    %get3A_4 = arith.constant 0 : index
    %get3A_5 = arith.constant 0 : index
    %get3A_6 = arith.constant 0 : index
    %get3A_7 = vector.load %arg1[%get3A_4, %get3A_5, %get3A_6] : memref<1x1x1024xi32, #tpu.memory_space<vmem>>, vector<1x1x1024xi32>
    %get3A_8 = vector.shape_cast %get3A_7 : vector<1x1x1024xi32> to vector<1x1024xi32>
    %iota3A = tpu.iota {dimensions = array<i32: 0>} : vector<512x1024xi32>
    %jit3A = arith.constant 2 : i32
    %div3A = vector.broadcast %jit3A : i32 to vector<1x1024xi32>
    %div3A_9 = arith.divsi %get3A_8, %div3A : vector<1x1024xi32>
    %sign3A = arith.constant 0 : i32
    %sign3A_10 = vector.broadcast %sign3A : i32 to vector<1x1024xi32>
    %sign3A_11 = arith.cmpi sgt, %get3A_8, %sign3A_10 : vector<1x1024xi32>
    %sign3A_12 = arith.extui %sign3A_11 : vector<1x1024xi1> to vector<1x1024xi32>
    %sign3A_13 = arith.constant 0 : i32
    %sign3A_14 = vector.broadcast %sign3A_13 : i32 to vector<1x1024xi32>
    %sign3A_15 = arith.cmpi slt, %get3A_8, %sign3A_14 : vector<1x1024xi32>
    %sign3A_16 = arith.extui %sign3A_15 : vector<1x1024xi1> to vector<1x1024xi32>
    %sign3A_17 = arith.subi %sign3A_12, %sign3A_16 : vector<1x1024xi32>
    %sign3A_18 = arith.constant 0 : i32
    %sign3A_19 = arith.cmpi sgt, %jit3A, %sign3A_18 : i32
    %sign3A_20 = arith.extui %sign3A_19 : i1 to i32
    %sign3A_21 = arith.constant 0 : i32
    %sign3A_22 = arith.cmpi slt, %jit3A, %sign3A_21 : i32
    %sign3A_23 = arith.extui %sign3A_22 : i1 to i32
    %sign3A_24 = arith.subi %sign3A_20, %sign3A_23 : i32
    %ne3A = vector.broadcast %sign3A_24 : i32 to vector<1x1024xi32>
    %ne3A_25 = arith.cmpi ne, %sign3A_17, %ne3A : vector<1x1024xi32>
    %rem3A = vector.broadcast %jit3A : i32 to vector<1x1024xi32>
    %rem3A_26 = arith.remsi %get3A_8, %rem3A : vector<1x1024xi32>
    %ne3A_27 = arith.constant 0 : i32
    %ne3A_28 = vector.broadcast %ne3A_27 : i32 to vector<1x1024xi32>
    %ne3A_29 = arith.cmpi ne, %rem3A_26, %ne3A_28 : vector<1x1024xi32>
    %and3A = arith.andi %ne3A_25, %ne3A_29 : vector<1x1024xi1>
    %sub3A = arith.constant 1 : i32
    %sub3A_30 = vector.broadcast %sub3A : i32 to vector<1x1024xi32>
    %sub3A_31 = arith.subi %div3A_9, %sub3A_30 : vector<1x1024xi32>
    %select_n3A = arith.select %and3A, %sub3A_31, %div3A_9 : vector<1x1024xi1>, vector<1x1024xi32>
    %eq3A = vector.broadcast %select_n3A : vector<1x1024xi32> to vector<512x1024xi32>
    %eq3A_32 = arith.cmpi eq, %eq3A, %iota3A : vector<512x1024xi32>
    %convert_element_type3A = arith.extui %eq3A_32 : vector<512x1024xi1> to vector<512x1024xi32>
    %convert_element_type3A_33 = arith.sitofp %convert_element_type3A : vector<512x1024xi32> to vector<512x1024xf32>
    %convert_element_type3A_34 = arith.truncf %convert_element_type3A_33 : vector<512x1024xf32> to vector<512x1024xbf16>
    %convert_element_type3A_35 = arith.truncf %get3A_3 : vector<1024x1024xf32> to vector<1024x1024xbf16>
    %convert_element_type3A_36 = arith.extf %convert_element_type3A_35 : vector<1024x1024xbf16> to vector<1024x1024xf32>
    %sub3A_37 = arith.subf %get3A_3, %convert_element_type3A_36 : vector<1024x1024xf32>
    %convert_element_type3A_38 = arith.truncf %sub3A_37 : vector<1024x1024xf32> to vector<1024x1024xbf16>
    %dot_general3A = arith.constant dense<0.000000e+00> : vector<512x1024xf32>
    %dot_general3A_39 = tpu.matmul %convert_element_type3A_34, %convert_element_type3A_35, %dot_general3A {dimension_numbers = #tpu.dot_dimension_numbers<[1], [0], [0], [1], [0, 0, 1, 1], [], []>, transpose_lhs_hint = false} : vector<512x1024xbf16>, vector<1024x1024xbf16>, vector<512x1024xf32> -> vector<512x1024xf32>
    %dot_general3A_40 = arith.constant dense<0.000000e+00> : vector<512x1024xf32>
    %dot_general3A_41 = tpu.matmul %convert_element_type3A_34, %convert_element_type3A_38, %dot_general3A_40 {dimension_numbers = #tpu.dot_dimension_numbers<[1], [0], [0], [1], [0, 0, 1, 1], [], []>, transpose_lhs_hint = false} : vector<512x1024xbf16>, vector<1024x1024xbf16>, vector<512x1024xf32> -> vector<512x1024xf32>
    %add3A = arith.addf %dot_general3A_39, %dot_general3A_41 : vector<512x1024xf32>
    %convert_element_type3A_42 = arith.truncf %add3A : vector<512x1024xf32> to vector<512x1024xbf16>
    %convert_element_type3A_43 = arith.extf %convert_element_type3A_42 : vector<512x1024xbf16> to vector<512x1024xf32>
    %sub3A_44 = arith.subf %add3A, %convert_element_type3A_43 : vector<512x1024xf32>
    %convert_element_type3A_45 = arith.truncf %sub3A_44 : vector<512x1024xf32> to vector<512x1024xbf16>
    %dot_general3A_46 = arith.constant dense<0.000000e+00> : vector<512x512xf32>
    %dot_general3A_47 = tpu.matmul %convert_element_type3A_42, %convert_element_type3A_34, %dot_general3A_46 {dimension_numbers = #tpu.dot_dimension_numbers<[1], [1], [0], [0], [0, 0, 1, 0], [], []>, transpose_lhs_hint = false} : vector<512x1024xbf16>, vector<512x1024xbf16>, vector<512x512xf32> -> vector<512x512xf32>
    %dot_general3A_48 = arith.constant dense<0.000000e+00> : vector<512x512xf32>
    %dot_general3A_49 = tpu.matmul %convert_element_type3A_45, %convert_element_type3A_34, %dot_general3A_48 {dimension_numbers = #tpu.dot_dimension_numbers<[1], [1], [0], [0], [0, 0, 1, 0], [], []>, transpose_lhs_hint = false} : vector<512x1024xbf16>, vector<512x1024xbf16>, vector<512x512xf32> -> vector<512x512xf32>
    %add3A_50 = arith.addf %dot_general3A_47, %dot_general3A_49 : vector<512x512xf32>
    %mul3A = arith.constant 2.500000e-01 : f32
    %mul3A_51 = vector.broadcast %mul3A : f32 to vector<512x512xf32>
    %mul3A_52 = arith.mulf %mul3A_51, %add3A_50 : vector<512x512xf32>
    %sub3A_53 = arith.constant 5.000000e-01 : f32
    %sub3A_54 = vector.broadcast %sub3A_53 : f32 to vector<512x512xf32>
    %sub3A_55 = arith.subf %mul3A_52, %sub3A_54 : vector<512x512xf32>
    %mul3A_56 = arith.constant 1.000000e+03 : f32
    %mul3A_57 = vector.broadcast %mul3A_56 : f32 to vector<512x512xf32>
    %mul3A_58 = arith.mulf %mul3A_57, %sub3A_55 : vector<512x512xf32>
    %add3A_59 = arith.constant 1.000000e+00 : f32
    %add3A_60 = vector.broadcast %add3A_59 : f32 to vector<512x512xf32>
    %add3A_61 = arith.addf %add3A_60, %mul3A_58 : vector<512x512xf32>
    %max3A = arith.constant 0.000000e+00 : f32
    %max3A_62 = vector.broadcast %max3A : f32 to vector<512x512xf32>
    %max3A_63 = arith.maximumf %add3A_61, %max3A_62 : vector<512x512xf32>
    %max3A_64 = arith.constant 0.000000e+00 : f32
    %max3A_65 = vector.broadcast %max3A_64 : f32 to vector<512x512xf32>
    %max3A_66 = arith.maximumf %mul3A_58, %max3A_65 : vector<512x512xf32>
    %sub3A_67 = arith.subf %max3A_63, %max3A_66 : vector<512x512xf32>
    %swap3A = arith.constant 0 : index
    %swap3A_68 = arith.constant 0 : index
    %swap3A_69 = arith.constant 0 : index
    %swap3A_70 = vector.load %arg3[%swap3A, %swap3A_68, %swap3A_69] : memref<1x512x512xf32, #tpu.memory_space<vmem>>, vector<1x512x512xf32>
    %swap3A_71 = vector.shape_cast %swap3A_70 : vector<1x512x512xf32> to vector<512x512xf32>
    %swap3A_72 = vector.shape_cast %sub3A_67 : vector<512x512xf32> to vector<1x512x512xf32>
    tpu.vector_store %arg3[%swap3A, %swap3A_68, %swap3A_69], %swap3A_72 {strides = array<i32>} : memref<1x512x512xf32, #tpu.memory_space<vmem>>, vector<1x512x512xf32>,
    return
  }
  func.func @transform_0(%arg0: i32) -> (i32, i32, i32) {
    %c0_i32 = arith.constant 0 : i32
    %c0_i32_0 = arith.constant 0 : i32
    %c0_i32_1 = arith.constant 0 : i32
    return %arg0, %c0_i32, %c0_i32_0 : i32, i32, i32
  }
  func.func @transform_1(%arg0: i32) -> (i32, i32, i32) {
    %c0_i32 = arith.constant 0 : i32
    %c0_i32_0 = arith.constant 0 : i32
    %c0_i32_1 = arith.constant 0 : i32
    return %arg0, %c0_i32, %c0_i32_0 : i32, i32, i32
  }
  func.func @transform_2(%arg0: i32) -> (i32, i32, i32) {
    %c0_i32 = arith.constant 0 : i32
    %c0_i32_0 = arith.constant 0 : i32
    %c0_i32_1 = arith.constant 0 : i32
    return %arg0, %c0_i32, %c0_i32_0 : i32, i32, i32
  }
}

module attributes {stable_mosaic.version = 14 : i64} {
  func.func @_x_body(%arg0: i32, %arg1: memref<1x512x2048xf32, #tpu.memory_space<vmem>>, %arg2: memref<2048x1024xf32, #tpu.memory_space<vmem>>, %arg3: memref<1x512x1024xf32, #tpu.memory_space<vmem>>) attributes {dimension_semantics = [#tpu.dimension_semantics<arbitrary>], iteration_bounds = array<i64: 32>, scalar_prefetch = 0 : i64, scratch_operands = 0 : i64, tpu.core_type = #tpu.core_type<tc>, window_params = [{transform_indices = @transform_0, window_bounds = array<i64: 1, 512, 2048>}, {pipeline_mode = #tpu.pipeline_mode<synchronous>, transform_indices = @transform_1, window_bounds = array<i64: 2048, 1024>}, {transform_indices = @transform_2, window_bounds = array<i64: 1, 512, 1024>}]} {
    %get3A = arith.constant 0 : index
    %get3A_0 = arith.constant 0 : index
    %get3A_1 = arith.constant 0 : index
    %get3A_2 = vector.load %arg1[%get3A, %get3A_0, %get3A_1] : memref<1x512x2048xf32, #tpu.memory_space<vmem>>, vector<1x512x2048xf32>
    %get3A_3 = vector.shape_cast %get3A_2 : vector<1x512x2048xf32> to vector<512x2048xf32>
    %get3A_4 = arith.constant 0 : index
    %get3A_5 = arith.constant 0 : index
    %get3A_6 = vector.load %arg2[%get3A_4, %get3A_5] : memref<2048x1024xf32, #tpu.memory_space<vmem>>, vector<2048x1024xf32>
    %dot_general3A = arith.constant dense<0.000000e+00> : vector<512x1024xf32>
    %dot_general3A_7 = tpu.matmul %get3A_3, %get3A_6, %dot_general3A {dimension_numbers = #tpu.dot_dimension_numbers<[1], [0], [0], [1], [0, 0, 1, 1], [], []>, transpose_lhs_hint = false} : vector<512x2048xf32>, vector<2048x1024xf32>, vector<512x1024xf32> -> vector<512x1024xf32>
    %swap3A = arith.constant 0 : index
    %swap3A_8 = arith.constant 0 : index
    %swap3A_9 = arith.constant 0 : index
    %swap3A_10 = vector.load %arg3[%swap3A, %swap3A_8, %swap3A_9] : memref<1x512x1024xf32, #tpu.memory_space<vmem>>, vector<1x512x1024xf32>
    %swap3A_11 = vector.shape_cast %swap3A_10 : vector<1x512x1024xf32> to vector<512x1024xf32>
    %swap3A_12 = vector.shape_cast %dot_general3A_7 : vector<512x1024xf32> to vector<1x512x1024xf32>
    tpu.vector_store %arg3[%swap3A, %swap3A_8, %swap3A_9], %swap3A_12 {strides = array<i32>} : memref<1x512x1024xf32, #tpu.memory_space<vmem>>, vector<1x512x1024xf32>,
    return
  }
  func.func @transform_0(%arg0: i32) -> (i32, i32, i32) {
    %c0_i32 = arith.constant 0 : i32
    %c0_i32_0 = arith.constant 0 : i32
    %c0_i32_1 = arith.constant 0 : i32
    return %arg0, %c0_i32, %c0_i32_0 : i32, i32, i32
  }
  func.func @transform_1(%arg0: i32) -> (i32, i32) {
    %c0_i32 = arith.constant 0 : i32
    %c0_i32_0 = arith.constant 0 : i32
    %c0_i32_1 = arith.constant 0 : i32
    return %c0_i32, %c0_i32_0 : i32, i32
  }
  func.func @transform_2(%arg0: i32) -> (i32, i32, i32) {
    %c0_i32 = arith.constant 0 : i32
    %c0_i32_0 = arith.constant 0 : i32
    %c0_i32_1 = arith.constant 0 : i32
    return %arg0, %c0_i32, %c0_i32_0 : i32, i32, i32
  }
}

</mosaic_0001>

<sc_bundles>
// kernel: kernel.6.cloned.1.call-start
scs
__scs_entry_jumppad:
0x0: {  	(pc) =	sbr.rel $0x88, $3  }
0x1: {  	(tag) =	ssettag $0x0;
	lr =	simm.s32 $0x1  }
0x2: {  	[smem:$0x3F9E] =	sst lr;
	_ =	strace $0xD0000000  }
0x3: {  	_ = 	snop  }
0x4: {  	_ = 	snop  }
0x5: {  	_ = 	snop  }
0x6: {  	_ = 	snop  }
0x7: {  	_ = 	snop  }
__scs_overlays_trampoline_lowered:
0x8: {  	[smem:$0x3FAD] =	sst s0  }
0x9: {  	[smem:$0x3FAE] =	sst s1  }
0xa: {  	[smem:$0x3FAF] =	sst s2  }
0xb: {  	[smem:$0x3FB0] =	sst s3  }
0xc: {  	[smem:$0x3FB1] =	sst s4  }
0xd: {  	[smem:$0x3FB2] =	sst s5  }
0xe: {  	[smem:$0x3FB3] =	sst s6  }
0xf: {  	[smem:$0x3FB4] =	sst s7  }
0x10: {  	[smem:$0x3FB5] =	sst s8  }
0x11: {  	[smem:$0x3FB6] =	sst s9;
	s0 =	simm.s32 @!p0 $0x0  }
0x12: {  	s1 =	sld [smem:$0x3F9C];
	s0 =	simm.s32 @p0 $0x1  }
0x13: {  	[smem:$0x3FB7] =	sst s0;
	s0 =	simm.s32 @!p1 $0x0  }
0x14: {  	s2 =	sld [smem:$0x3F9B];
	s0 =	simm.s32 @p1 $0x1  }
0x15: {  	[smem:$0x3FB8] =	sst s0;
	s0 =	simm.s32 @!p2 $0x0  }
0x16: {  	s3 =	sld [smem:$0x3FDB];
	s0 =	simm.s32 @p2 $0x1  }
0x17: {  	s4 =	simm.s32 $0x1BF5;
	[smem:$0x3FBA] =	sst s0  }
0x18: {  	s0 =	sld [smem:$0x3F9D];
	_ =	swait.ge [sflag:s4], $0x0  }
0x19: {  	s7 =	sld [smem:$0x3F9E]  }
0x1a: {  	s8 =	sadd.s32 $0xFFFFE003, lr  }
0x1b: {  	s9 =	sadd.s32 $0xFFFFFEF7, lr;
	s5 =	simm.s32 $0xFFFFFFFF;
	p2 =	slt.u32 s8, $0xFFFFF086  }
0x1c: {  	p1 =	slt.u32 s9, $0xF7A;
	s5 =	simm.s32 @!p2 $0x0  }
0x1d: {  	s5 =	simm.s32 @p1 $0x1;
	p0 =	seq.s32 s7, s2  }
0x1e: {  	s7 =	smul.u32 @!p0 $0xF7A, s2;
	p2 =	seq.s32 @!p0 s5, $0x0  }
0x1f: {  	s9 =	smul.u32 $0xF7A, s1;
	s8 =	simm.s32 @!p0 $0x1BF5;
	p2 =	por !p2, p0  }
0x20: {  	[sflag:s8] =	ssyncset.s32 @!p0 $0xFFFFF086;
	s6 =	sadd.s32 @!p0 s3, s7;
	s7 =	simm.s32 @!p0 $0x108  }
0x21: {  	s3 =	sadd.s32 s3, s9;
	s6 =	sadd.s32 @!p0 $0x88, s6;
	s7 =	simm.s32 @p2 $0x1082  }
0x22: {  	[simem:s7], [sflag:s8] =	dma.local @!p0 [hbm:s6], $0xF7A  }
0x23: {  	s9 =	sor.u32 $0xD0000000, s2;
	s6 =	simm.s32 $0x108;
	_ =	swait.ge @!p0 [sflag:s8], $0x0  }
0x24: {  	s3 =	sadd.s32 $0x88, s3;
	s6 =	simm.s32 @!p1 $0x1082;
	[sflag:s4] =	ssyncset.s32 $0xFFFFF086  }
0x25: {  	[simem:s6], [sflag:s4] =	dma.local [hbm:s3], $0xF7A  }
0x26: {  	[smem:$0x3F9E] =	sst s1;
	(tag) =	ssettag s2;
	_ =	strace s9  }
0x27: {  	s1 =	sld [smem:$0x3FAE]  }
0x28: {  	s2 =	sld [smem:$0x3FAF]  }
0x29: {  	s4 =	sld [smem:$0x3FB1]  }
0x2a: {  	p0 =	seq.s32 s5, $0x0;
	s5 =	sld [smem:$0x3FB2]  }
0x2b: {  	s6 =	sld [smem:$0x3FB3]  }
0x2c: {  	s7 =	sld [smem:$0x3FB4]  }
0x2d: {  	s3 =	simm.s32 $0x108;
	s8 =	sld [smem:$0x3FB5]  }
0x2e: {  	s3 =	simm.s32 @!p0 $0x1082;
	s9 =	sld [smem:$0x3FB6]  }
0x2f: {  	lr =	sadd.s32 s0, s3;
	s0 =	sld [smem:$0x3FAD]  }
0x30: {  	s3 =	sld [smem:$0x3FB0]  }
0x31: {  	[smem:$0x3FB9] =	sst s10  }
0x32: {  	s10 =	sld [smem:$0x3FB7];
	_ =	sdelay $0x3  }
0x33: {  	p0 =	seq.s32 s10, $0x1;
	s10 =	sld [smem:$0x3FB9];
	_ =	sdelay $0x3  }
0x34: {  	[smem:$0x3FB9] =	sst s10  }
0x35: {  	s10 =	sld [smem:$0x3FB8];
	_ =	sdelay $0x3  }
0x36: {  	p1 =	seq.s32 s10, $0x1;
	s10 =	sld [smem:$0x3FB9];
	_ =	sdelay $0x3  }
0x37: {  	[smem:$0x3FB9] =	sst s10  }
0x38: {  	s10 =	sld [smem:$0x3FBA]  }
0x39: {  	_ = 	snop;
	(pc) =	sbr.ind lr, $3  }
0x3a: {  	_ = 	snop  }
0x3b: {  	_ = 	snop  }
0x3c: {  	p2 =	seq.s32 s10, $0x1;
	s10 =	sld [smem:$0x3FB9]  }
0x3d: {  	_ =	shalt  }
0x3e: {  	_ =	shalt  }
0x3f: {  	_ =	shalt  }
0x40: {  	_ =	shalt  }
0x41: {  	_ =	shalt  }
0x42: {  	_ =	shalt  }
0x43: {  	_ =	shalt  }
0x44: {  	_ =	shalt  }
0x45: {  	_ =	shalt  }
0x46: {  	_ =	shalt  }
0x47: {  	_ =	shalt  }
0x48: {  	_ =	shalt  }
0x49: {  	_ =	shalt  }
0x4a: {  	_ =	shalt  }
0x4b: {  	_ =	shalt  }
0x4c: {  	_ =	shalt  }
0x4d: {  	_ =	shalt  }
0x4e: {  	_ =	shalt  }
0x4f: {  	_ =	shalt  }
0x50: {  	_ =	shalt  }
0x51: {  	_ =	shalt  }
0x52: {  	_ =	shalt  }
0x53: {  	_ =	shalt  }
0x54: {  	_ =	shalt  }
0x55: {  	_ =	shalt  }
0x56: {  	_ =	shalt  }
0x57: {  	_ =	shalt  }
0x58: {  	_ =	shalt  }
0x59: {  	_ =	shalt  }
0x5a: {  	_ =	shalt  }
0x5b: {  	_ =	shalt  }
0x5c: {  	_ =	shalt  }
0x5d: {  	_ =	shalt  }
0x5e: {  	_ =	shalt  }
0x5f: {  	_ =	shalt  }
0x60: {  	_ =	shalt  }
0x61: {  	_ =	shalt  }
0x62: {  	_ =	shalt  }
0x63: {  	_ =	shalt  }
0x64: {  	_ =	shalt  }
0x65: {  	_ =	shalt  }
0x66: {  	_ =	shalt  }
0x67: {  	_ =	shalt  }
0x68: {  	_ =	shalt  }
0x69: {  	_ =	shalt  }
0x6a: {  	_ =	shalt  }
0x6b: {  	_ =	shalt  }
0x6c: {  	_ =	shalt  }
0x6d: {  	_ =	shalt  }
0x6e: {  	_ =	shalt  }
0x6f: {  	_ =	shalt  }
0x70: {  	_ =	shalt  }
0x71: {  	_ =	shalt  }
0x72: {  	_ =	shalt  }
0x73: {  	_ =	shalt  }
0x74: {  	_ =	shalt  }
0x75: {  	_ =	shalt  }
0x76: {  	_ =	shalt  }
0x77: {  	_ =	shalt  }
0x78: {  	_ =	shalt  }
0x79: {  	_ =	shalt  }
0x7a: {  	_ =	shalt  }
0x7b: {  	_ =	shalt  }
0x7c: {  	_ =	shalt  }
0x7d: {  	_ =	shalt  }
0x7e: {  	_ =	shalt  }
0x7f: {  	_ =	shalt  }
0x80: {  	_ =	shalt  }
0x81: {  	_ =	shalt  }
0x82: {  	_ =	shalt  }
0x83: {  	_ =	shalt  }
0x84: {  	_ =	shalt  }
0x85: {  	_ =	shalt  }
0x86: {  	_ =	shalt  }
0x87: {  	_ =	shalt  }
.Lfunc_end0:
.L_simem_size_0:
called_computation_lowered:
.L_overlay_start_0:
0x88: {  	s2 =	sld [smem:$0x3FD9]  }
0x89: {  	s3 =	sld [smem:$0x3FFE];
	_ =	sdelay $0x1  }
0x8a: {  	s1 =	srdreg.scid  }
0x8b: {  	s0 =	sand.u32 $0x1, s1  }
0x8c: {  	s14 =	sshll.u32 s0, $0xA;
	s2 =	sadd.s32 s3, s2  }
0x8d: {  	s2 =	sadd.s32 s2, s14  }
0x8e: {  	[smem:$0x3FC5] =	sst s2  }
0x8f: {  	_ = 	snop  }
0x90: {  	s2 =	sld [smem:$0x3FD0];
	_ =	sdelay $0x2  }
0x91: {  	s4 =	simm.s32 $0xA;
	s5 =	simm.s32 $0x10;
	s15 =	sld [smem:$0x3FC8]  }
0x92: {  	[smem:s5], [sflag:s4] =	dma.local [hbm:s2], $0x1  }
0x93: {  	_ =	swait.eq [sflag:s4], $0x1  }
0x94: {  	[sflag:s4] =	ssyncset.done $0x0  }
0x95: {  	[sflag:s4] =	ssyncadd.s32 $0xFFFFFFFF  }
0x96: {  	s16 =	sld [smem:$0x11];
	(tm) =	ssettm $0x1  }
0x97: {  	s17 =	sld [smem:$0x3FFB];
	_ =	sdelay $0x3  }
0x98: {  	_ =	strace s17  }
0x99: {  	s4 =	sld [smem:$0x3FFC];
	_ =	sdelay $0x3  }
0x9a: {  	_ =	strace s4  }
0x9b: {  	s4 =	sld [smem:$0x3FFD];
	_ =	sdelay $0x3  }
0x9c: {  	_ =	strace s4  }
0x9d: {  	_ =	strace $0x8FFFFFFF  }
0x9e: {  	s18 =	sld [smem:$0x3FDB];
	_ =	sdelay $0x1  }
0x9f: {  	s19 =	simm.s32 $_scs_section_size  }
0xa0: {  	s6 =	simm.s32 $_size__tile_overlayer_lowered;
	s7 =	simm.s32 $_tile_overlayer_lowered  }
0xa1: {  	s22 =	simm.s32 $0x1BFF;
	s21 =	sshll.u32 s7, $0x1;
	s4 =	sadd.s32 s19, s18  }
0xa2: {  	s8 =	simm.s32 $0x0;
	s20 =	sshll.u32 s6, $0x1;
	s6 =	sadd.s32 s21, s4  }
0xa3: {  	[timem:s8], [sflag:s22] =	dma.local [hbm:s6], s20  }
0xa4: {  	_ =	swait.ge [sflag:s22], s20  }
0xa5: {  	s5 =	ssub.s32 $0x0, s20;
	[sflag:s22] =	ssyncset.done $0x0  }
0xa6: {  	[sflag:s22] =	ssyncadd.s32 s5;
	_ =	sdelay $0x1  }
0xa7: {  	s23 =	simm.s32 $0x1B8B  }
0xa8: {  	_ =	swait.ge [sflag:s23], $0x1  }
0xa9: {  	[sflag:s23] =	ssyncset.done $0x0  }
0xaa: {  	s25 =	simm.s32 $0x1B8E;
	s24 =	sld [smem:$0x3FFE];
	[sflag:s23] =	ssyncadd.s32 $0xFFFFFFFF  }
0xab: {  	s26 =	simm.s32 $execute0_lowered;
	[smem:$0x3FD2] =	sst s25  }
0xac: {  	s6 =	sshll.u32 s26, $0x1;
	_ =	strace $0x80000046;
	[dreg:$0x1] =	wrdreg $0xFFFFFFFF  }
0xad: {  	s28 =	simm.s32 $_size_execute0_lowered;
	s4 =	sadd.s32 s4, s6;
	[dreg:$0x0] =	wrdreg $0x0  }
0xae: {  	s6 =	sshll.u32 s28, $0x1;
	[dreg:$0x2] =	wrdreg s4  }
0xaf: {  	[dreg:$0x3] =	wrdreg s6  }
0xb0: {  	[dreg:$0x4] =	wrdreg $0xC0  }
0xb1: {  	_ =	task [dreg:s8], $0x5FFFF  }
0xb2: {  	[dreg:$0x1] =	wrdreg $0xFFFFFFFF  }
0xb3: {  	[dreg:$0x0] =	wrdreg $0x60  }
0xb4: {  	[dreg:$0x2] =	wrdreg s15  }
0xb5: {  	[dreg:$0x3] =	wrdreg s16  }
0xb6: {  	[dreg:$0x4] =	wrdreg s24  }
0xb7: {  	[dreg:$0x5] =	wrdreg $0x9  }
0xb8: {  	_ =	task.clear_ibuf [dreg:s8], $0x6FFFF;
	_ =	strace $0x90000046  }
0xb9: {  	s29 =	simm.s32 $0x9;
	_ =	strace $0x80000048  }
0xba: {  	_ =	swait.ge [sflag:s29], $0x1  }
0xbb: {  	[sflag:s29] =	ssyncadd.s32 $0xFFFFFFFF  }
0xbc: {  	_ =	strace $0x90000048  }
0xbd: {  	_ =	sfence  }
0xbe: {  	s30 =	sld [smem:$0x0];
	_ =	sdelay $0x2  }
0xbf: {  	s31 =	sshll.u32 s1, $0xD;
	s1 =	sshrl.u32 s1, $0x2  }
0xc0: {  	s3 =	sand.u32 $0x4000, s31;
	s1 =	sadd.s32 s1, s30  }
0xc1: {  	s0 =	sor.u32 s3, s0;
	s1 =	sshll.u32 s1, $0x11  }
0xc2: {  	s0 =	sor.u32 s1, s0  }
0xc3: {  	s0 =	sadd.s32 $0x8F2B, s0  }
0xc4: {  	[sflag:s0] =	ssyncadd.remote.s32 $0x1  }
0xc5: {  	_ =	sfence.sel $0xFFFF  }
0xc6: {  	[dreg:$0x0] =	wrdreg $0xFFFFFFFF;
	(pc) =	sbr.abs _section_cstart, $3  }
0xc7: {  	[dreg:$0x1] =	wrdreg $0xFFFFFFFF  }
0xc8: {  	_ =	task.clear_ibuf [dreg:s8], $0x2FFFF;
	_ =	strace $0x9FFFFFFF  }
0xc9: {  	(tm) =	ssettm $0x7FFFFFFF  }
tec
execute0_lowered:
.L_overlay_start_1:
0x0: {  	(tag) =	ssettag $0x1  }
0x1: {  	s1 =	rddreg [dreg:$0x0]  }
0x2: {  	s2 =	srdreg.scid;
	s4 =	rddreg [dreg:$0x1]  }
0x3: {  	s0 =	stileid.u32;
	s5 =	rddreg [dreg:$0x2]  }
0x4: {  	s10 =	simm.s32 $0x900;
	s11 =	simm.s32 $0x1100;
	s8 =	sand.u32 $0x1, s2  }
0x5: {  	s13 =	simm.s32 $0x1900;
	s9 =	sshll.u32 s0, $0xB;
	s3 =	sshll.u32 s8, $0xA  }
0x6: {  	s14 =	simm.s32 $0x2100;
	s6 =	sor.u32 s3, s9;
	s3 =	simm.s32 $0x0  }
0x7: {  	s16 =	simm.s32 $0x2900;
	s18 =	simm.s32 $0x3100;
	[smem:$0x7FF] =	sst s3  }
0x8: {  	s20 =	simm.s32 $0x3900;
	_ =	strace $0x80000047;
	[dreg:$0x6] =	wrdreg s10  }
0x9: {  	s21 =	simm.s32 $0x4100;
	s22 =	simm.s32 $0x5100;
	[dreg:$0x7] =	wrdreg s11  }
0xa: {  	s24 =	simm.s32 $0x5900;
	s25 =	simm.s32 $0x6100;
	[dreg:$0x8] =	wrdreg s13  }
0xb: {  	s26 =	simm.s32 $0x6900;
	s30 =	simm.s32 $0x7100;
	[dreg:$0x9] =	wrdreg s14  }
0xc: {  	s31 =	simm.s32 $0x80;
	s28 =	simm.s32 $0x2;
	[dreg:$0xa] =	wrdreg s16  }
0xd: {  	s29 =	simm.s32 $0x0;
	s12 =	sshll.u32 s0, $0x12;
	[dreg:$0xb] =	wrdreg s18  }
0xe: {  	s15 =	ssub.s32 $0x2, s8;
	s8 =	sshll.u32 s8, $0x11;
	[dreg:$0xc] =	wrdreg s20  }
0xf: {  	s9 =	sadd.s32 s12, s5;
	s17 =	sshrl.u32 s15, $0x1;
	[dreg:$0xd] =	wrdreg s21  }
0x10: {  	s5 =	sadd.s32 $0x200, s1;
	s12 =	simm.s32 $0x8900;
	[dreg:$0xf] =	wrdreg s22  }
0x11: {  	s7 =	sor.u32 $0x20, s6;
	s6 =	sshrl.u32 s6, $0x3;
	[dreg:$0x10] =	wrdreg s24  }
0x12: {  	s19 =	ssub.s32 s15, s17;
	s8 =	sadd.s32 s8, s9;
	[dreg:$0x11] =	wrdreg s25  }
0x13: {  	s9 =	simm.s32 $0x3;
	s15 =	simm.s32 $0xA900;
	[dreg:$0x12] =	wrdreg s26  }
0x14: {  	s17 =	simm.s32 $0xB900;
	s7 =	sshrl.u32 s7, $0x3;
	[dreg:$0x13] =	wrdreg s30  }
0x15: {  	s10 =	simm.s32 $0x4900;
	s23 =	smax.u32 s19, $0x1;
	[dreg:$0x15] =	wrdreg s31  }
0x16: {  	s8 =	sadd.s32 $0x1200, s8;
	s11 =	simm.s32 $0x7900;
	[dreg:$0x16] =	wrdreg s12  }
0x17: {  	s12 =	simm.s32 $0x9100;
	s13 =	simm.s32 $0x9900;
	s14 =	simm.s32 $0xA100  }
0x18: {  	s16 =	simm.s32 $0xB100;
	s18 =	simm.s32 $0xC100;
	s19 =	simm.s32 $0xC900  }
0x19: {  	s20 =	simm.s32 $0xD100;
	s21 =	simm.s32 $0xD900;
	s22 =	simm.s32 $0xE100  }
0x1a: {  	s24 =	simm.s32 $0xF100;
	s25 =	simm.s32 $0xF900;
	[dreg:$0xe] =	wrdreg s10  }
0x1b: {  	s26 =	simm.s32 $0x1;
	s7 =	sadd.s32 s7, s4;
	[dreg:$0x17] =	wrdreg s23  }
0x1c: {  	v2 =	vlaneseq.u32;
	s4 =	sadd.s32 s6, s4;
	s6 =	sadd.s32 $0x300, s1;
	[dreg:$0x14] =	wrdreg s11  }
0x1d: {  	vm0 =	vmmov $0xffff;
	v1 =	vshrl.u32 v2, $0x3;
	s10 =	simm.s32 $0x100;
	s11 =	simm.s32 $0x8100;
	[dreg:$0x4] =	wrdreg s7  }
0x1e: {  	v0 =	vand.u32 $0x7, v2;
	v2 =	vor.u32 $0x8, v2;
	v1 =	vmul.u32 $0x8, v1;
	s23 =	simm.s32 $0xE900;
	[dreg:$0x5] =	wrdreg s4;
	s4 =	sadd.s32 $0x100, s1  }
.LBB2_1:
0x1f: {  	s30 =	smov.u32 s8;
	s31 =	simm.s32 $0x0  }
.LBB2_2:
0x20: {  	s2 =	rddreg [dreg:$0x5]  }
0x21: {  	s2 =	sadd.s32 s31, s2  }
0x22: {  	[tilespmem:s3], [sflag:$0x3] =	stream.linear.gather [hbm4b:s2+s3], $0x20, $0x38;
	[tilespmem:$0x10100] =	vst v63  }
0x23: {  	_ =	swait.ge [sflag:s9], $0x20  }
0x24: {  	[sflag:s9] =	ssyncset.done $0x0  }
0x25: {  	[sflag:s9] =	ssyncadd.s32 $0xFFFFFFE0  }
0x26: {  	v3 =	vld [tilespmem:$0x0];
	_ =	sdelay $0x4  }
0x27: {  	v4 =	vshll.u32 v3, $0x3  }
0x28: {  	v3 =	vand.u32 $0x7, v3;
	v4 =	vand.u32 $0xFFFFFFC0, v4  }
0x29: {  	v3 =	vor.u32 v3, v4  }
0x2a: {  	v4 =	vperm.xlane v3, v0;
	_ =	sdelay $0x1  }
0x2b: {  	v4 =	vadd.s32 v1, v4;
	_ =	sdelay $0x4  }
0x2c: {  	[tilespmem:s10], [sflag:$0x1] =	stream.indirect_vreg.gather [hbm4b:s1+s3], $0x80, v4, vm0, $0xb8;
	[tilespmem:$0x10100] =	vst v63  }
0x2d: {  	s7 =	rddreg [dreg:$0x6];
	v3 =	vperm.xlane v3, v2  }
0x2e: {  	[tilespmem:s7], [sflag:$0x1] =	stream.indirect_vreg.gather [hbm4b:s4+s3], $0x80, v4, vm0, $0xb8;
	[tilespmem:$0x10100] =	vst v63  }
0x2f: {  	s0 =	rddreg [dreg:$0x7];
	v3 =	vadd.s32 v1, v3  }
0x30: {  	[tilespmem:s0], [sflag:$0x1] =	stream.indirect_vreg.gather [hbm4b:s5+s3], $0x80, v4, vm0, $0xb8;
	[tilespmem:$0x10100] =	vst v63  }
0x31: {  	s7 =	rddreg [dreg:$0x8]  }
0x32: {  	[tilespmem:s7], [sflag:$0x1] =	stream.indirect_vreg.gather [hbm4b:s6+s3], $0x80, v4, vm0, $0xb8;
	[tilespmem:$0x10100] =	vst v63  }
0x33: {  	s0 =	rddreg [dreg:$0x9]  }
0x34: {  	[tilespmem:s0], [sflag:$0x1] =	stream.indirect_vreg.gather [hbm4b:s1+s3], $0x80, v3, vm0, $0xb8;
	[tilespmem:$0x10100] =	vst v63  }
0x35: {  	s7 =	rddreg [dreg:$0xa]  }
0x36: {  	[tilespmem:s7], [sflag:$0x1] =	stream.indirect_vreg.gather [hbm4b:s4+s3], $0x80, v3, vm0, $0xb8;
	[tilespmem:$0x10100] =	vst v63  }
0x37: {  	s0 =	rddreg [dreg:$0xb]  }
0x38: {  	[tilespmem:s0], [sflag:$0x1] =	stream.indirect_vreg.gather [hbm4b:s5+s3], $0x80, v3, vm0, $0xb8;
	[tilespmem:$0x10100] =	vst v63  }
0x39: {  	s7 =	rddreg [dreg:$0xc]  }
0x3a: {  	[tilespmem:s7], [sflag:$0x1] =	stream.indirect_vreg.gather [hbm4b:s6+s3], $0x80, v3, vm0, $0xb8;
	[tilespmem:$0x10100] =	vst v63  }
0x3b: {  	v3 =	vld [tilespmem:$0x10];
	_ =	sdelay $0x4  }
0x3c: {  	v61 =	vshll.u32 v3, $0x3  }
0x3d: {  	v3 =	vand.u32 $0x7, v3;
	v4 =	vand.u32 $0xFFFFFFC0, v61  }
0x3e: {  	v3 =	vor.u32 v3, v4  }
0x3f: {  	v4 =	vperm.xlane v3, v0;
	_ =	sdelay $0x1  }
0x40: {  	v4 =	vadd.s32 v1, v4;
	_ =	sdelay $0x2  }
0x41: {  	s2 =	rddreg [dreg:$0xe]  }
0x42: {  	s7 =	rddreg [dreg:$0xd]  }
0x43: {  	[tilespmem:s7], [sflag:$0x1] =	stream.indirect_vreg.gather [hbm4b:s1+s3], $0x80, v4, vm0, $0xb8;
	[tilespmem:$0x10100] =	vst v63  }
0x44: {  	s0 =	rddreg [dreg:$0x14];
	v3 =	vperm.xlane v3, v2  }
0x45: {  	[tilespmem:s2], [sflag:$0x1] =	stream.indirect_vreg.gather [hbm4b:s4+s3], $0x80, v4, vm0, $0xb8;
	[tilespmem:$0x10100] =	vst v63  }
0x46: {  	v3 =	vadd.s32 v1, v3;
	s7 =	rddreg [dreg:$0xf]  }
0x47: {  	[tilespmem:s7], [sflag:$0x1] =	stream.indirect_vreg.gather [hbm4b:s5+s3], $0x80, v4, vm0, $0xb8;
	[tilespmem:$0x10100] =	vst v63  }
0x48: {  	s2 =	rddreg [dreg:$0x10]  }
0x49: {  	[tilespmem:s2], [sflag:$0x1] =	stream.indirect_vreg.gather [hbm4b:s6+s3], $0x80, v4, vm0, $0xb8;
	[tilespmem:$0x10100] =	vst v63  }
0x4a: {  	s7 =	rddreg [dreg:$0x11]  }
0x4b: {  	[tilespmem:s7], [sflag:$0x1] =	stream.indirect_vreg.gather [hbm4b:s1+s3], $0x80, v3, vm0, $0xb8;
	[tilespmem:$0x10100] =	vst v63  }
0x4c: {  	s2 =	rddreg [dreg:$0x12]  }
0x4d: {  	[tilespmem:s2], [sflag:$0x1] =	stream.indirect_vreg.gather [hbm4b:s4+s3], $0x80, v3, vm0, $0xb8;
	[tilespmem:$0x10100] =	vst v63  }
0x4e: {  	s7 =	rddreg [dreg:$0x13]  }
0x4f: {  	[tilespmem:s7], [sflag:$0x1] =	stream.indirect_vreg.gather [hbm4b:s5+s3], $0x80, v3, vm0, $0xb8;
	[tilespmem:$0x10100] =	vst v63  }
0x50: {  	s2 =	rddreg [dreg:$0x4]  }
0x51: {  	[tilespmem:s0], [sflag:$0x1] =	stream.indirect_vreg.gather [hbm4b:s6+s3], $0x80, v3, vm0, $0xb8;
	[tilespmem:$0x10100] =	vst v63  }
0x52: {  	s2 =	sadd.s32 s31, s2;
	s7 =	rddreg [dreg:$0x15]  }
0x53: {  	[tilespmem:s7], [sflag:$0x3] =	stream.linear.gather [hbm4b:s2+s3], $0x20, $0x38;
	[tilespmem:$0x10100] =	vst v63  }
0x54: {  	_ =	swait.ge [sflag:s9], $0x20  }
0x55: {  	[sflag:s9] =	ssyncset.done $0x0  }
0x56: {  	[sflag:s9] =	ssyncadd.s32 $0xFFFFFFE0  }
0x57: {  	v3 =	vld [tilespmem:$0x80];
	_ =	sdelay $0x4  }
0x58: {  	v62 =	vshll.u32 v3, $0x3  }
0x59: {  	v3 =	vand.u32 $0x7, v3;
	v4 =	vand.u32 $0xFFFFFFC0, v62  }
0x5a: {  	v3 =	vor.u32 v3, v4  }
0x5b: {  	v4 =	vperm.xlane v3, v0;
	_ =	sdelay $0x1  }
0x5c: {  	v4 =	vadd.s32 v1, v4;
	_ =	sdelay $0x4  }
0x5d: {  	[tilespmem:s11], [sflag:$0x2] =	stream.indirect_vreg.gather [hbm4b:s1+s3], $0x80, v4, vm0, $0xb8;
	[tilespmem:$0x10100] =	vst v63  }
0x5e: {  	s2 =	rddreg [dreg:$0x16];
	v3 =	vperm.xlane v3, v2  }
0x5f: {  	[tilespmem:s2], [sflag:$0x2] =	stream.indirect_vreg.gather [hbm4b:s4+s3], $0x80, v4, vm0, $0xb8;
	[tilespmem:$0x10100] =	vst v63  }
0x60: {  	v3 =	vadd.s32 v1, v3  }
0x61: {  	[tilespmem:s12], [sflag:$0x2] =	stream.indirect_vreg.gather [hbm4b:s5+s3], $0x80, v4, vm0, $0xb8;
	[tilespmem:$0x10100] =	vst v63  }
0x62: {  	_ = 	snop  }
0x63: {  	[tilespmem:s13], [sflag:$0x2] =	stream.indirect_vreg.gather [hbm4b:s6+s3], $0x80, v4, vm0, $0xb8;
	[tilespmem:$0x10100] =	vst v63  }
0x64: {  	_ = 	snop  }
0x65: {  	[tilespmem:s14], [sflag:$0x2] =	stream.indirect_vreg.gather [hbm4b:s1+s3], $0x80, v3, vm0, $0xb8;
	[tilespmem:$0x10100] =	vst v63  }
0x66: {  	_ = 	snop  }
0x67: {  	[tilespmem:s15], [sflag:$0x2] =	stream.indirect_vreg.gather [hbm4b:s4+s3], $0x80, v3, vm0, $0xb8;
	[tilespmem:$0x10100] =	vst v63  }
0x68: {  	_ = 	snop  }
0x69: {  	[tilespmem:s16], [sflag:$0x2] =	stream.indirect_vreg.gather [hbm4b:s5+s3], $0x80, v3, vm0, $0xb8;
	[tilespmem:$0x10100] =	vst v63  }
0x6a: {  	_ = 	snop  }
0x6b: {  	[tilespmem:s17], [sflag:$0x2] =	stream.indirect_vreg.gather [hbm4b:s6+s3], $0x80, v3, vm0, $0xb8;
	[tilespmem:$0x10100] =	vst v63  }
0x6c: {  	v3 =	vld [tilespmem:$0x90];
	_ =	sdelay $0x4  }
0x6d: {  	v63 =	vshll.u32 v3, $0x3  }
0x6e: {  	v3 =	vand.u32 $0x7, v3;
	v4 =	vand.u32 $0xFFFFFFC0, v63  }
0x6f: {  	v3 =	vor.u32 v3, v4  }
0x70: {  	v4 =	vperm.xlane v3, v0;
	_ =	sdelay $0x1  }
0x71: {  	v4 =	vadd.s32 v1, v4;
	_ =	sdelay $0x4  }
0x72: {  	[tilespmem:s18], [sflag:$0x2] =	stream.indirect_vreg.gather [hbm4b:s1+s3], $0x80, v4, vm0, $0xb8;
	[tilespmem:$0x10100] =	vst v63  }
0x73: {  	v3 =	vperm.xlane v3, v2  }
0x74: {  	[tilespmem:s19], [sflag:$0x2] =	stream.indirect_vreg.gather [hbm4b:s4+s3], $0x80, v4, vm0, $0xb8;
	[tilespmem:$0x10100] =	vst v63  }
0x75: {  	v3 =	vadd.s32 v1, v3  }
0x76: {  	[tilespmem:s20], [sflag:$0x2] =	stream.indirect_vreg.gather [hbm4b:s5+s3], $0x80, v4, vm0, $0xb8;
	[tilespmem:$0x10100] =	vst v63  }
0x77: {  	_ = 	snop  }
0x78: {  	[tilespmem:s21], [sflag:$0x2] =	stream.indirect_vreg.gather [hbm4b:s6+s3], $0x80, v4, vm0, $0xb8;
	[tilespmem:$0x10100] =	vst v63  }
0x79: {  	_ = 	snop  }
0x7a: {  	[tilespmem:s22], [sflag:$0x2] =	stream.indirect_vreg.gather [hbm4b:s1+s3], $0x80, v3, vm0, $0xb8;
	[tilespmem:$0x10100] =	vst v63  }
0x7b: {  	_ = 	snop  }
0x7c: {  	[tilespmem:s23], [sflag:$0x2] =	stream.indirect_vreg.gather [hbm4b:s4+s3], $0x80, v3, vm0, $0xb8;
	[tilespmem:$0x10100] =	vst v63  }
0x7d: {  	_ = 	snop  }
0x7e: {  	[tilespmem:s24], [sflag:$0x2] =	stream.indirect_vreg.gather [hbm4b:s5+s3], $0x80, v3, vm0, $0xb8;
	[tilespmem:$0x10100] =	vst v63  }
0x7f: {  	_ = 	snop  }
0x80: {  	[tilespmem:s25], [sflag:$0x2] =	stream.indirect_vreg.gather [hbm4b:s6+s3], $0x80, v3, vm0, $0xb8;
	[tilespmem:$0x10100] =	vst v63  }
0x81: {  	_ =	swait.ge [sflag:s26], $0x8000  }
0x82: {  	[sflag:s26] =	ssyncset.done $0x0  }
0x83: {  	[sflag:s26] =	ssyncadd.s32 $0xFFFF8000  }
0x84: {  	[hbm4b:s30+s3] =	stream.linear.scatter [tilespmem:s10], [sflag:$0x3], $0x8000, $0x38;
	[tilespmem:$0x10100] =	vst v63  }
0x85: {  	_ =	swait.ge [sflag:s9], $0x8000  }
0x86: {  	[sflag:s9] =	ssyncset.done $0x0  }
0x87: {  	[sflag:s9] =	ssyncadd.s32 $0xFFFF8000  }
0x88: {  	_ =	swait.ge [sflag:s28], $0x8000  }
0x89: {  	p0 =	sne.s32 s31, $0x78;
	[sflag:s28] =	ssyncset.done $0x0  }
.Ltmp0:
0x8a: {  	s7 =	sadd.s32 $0x1000, s30;
	[sflag:s28] =	ssyncadd.s32 $0xFFFF8000;
	(pc) =	sbr.rel @p0 .LBB2_2-.Ltmp0, $4  }
0x8b: {  	[hbm4b:s7+s3] =	stream.linear.scatter [tilespmem:s11], [sflag:$0x3], $0x8000, $0x38;
	[tilespmem:$0x10100] =	vst v63  }
0x8c: {  	_ =	swait.ge [sflag:s9], $0x8000  }
0x8d: {  	[sflag:s9] =	ssyncset.done $0x0  }
0x8e: {  	s31 =	sadd.s32 $0x8, s31;
	s30 =	sadd.s32 $0x2000, s30;
	[sflag:s9] =	ssyncadd.s32 $0xFFFF8000  }
0x8f: {  	s29 =	sadd.s32 $0x1, s29;
	s0 =	rddreg [dreg:$0x17]  }
0x90: {  	p0 =	sne.s32 s29, s0  }
.Ltmp1:
0x91: {  	_ = 	snop;
	(pc) =	sbr.rel @p0 .LBB2_1-.Ltmp1, $1  }
0x92: {  	_ =	sdelay $0x3  }
0x93: {  	_ =	sfence.sel $0x180000  }
0x94: {  	[bflag:$0x0] =	sbarrier.arrive $0xFFFF  }
0x95: {  	_ =	strace $0x90000047  }
0x96: {  	s0 =	stileid.u32;
	[bflag:$0x2] =	sbarrier.arrive $0xFFFF  }
0x97: {  	p0 =	sne.s32 s0, $0x0;
	s0 =	rddreg [dreg:$0x3]  }
0x98: {  	s0 =	sadd.s32 @!p0 $0x100000, s0  }
0x99: {  	[sflag:s0] =	ssyncadd.tile.s32 @!p0 $0x1;
	_ =	shalt  }
.Lfunc_end2:
_tile_overlayer_lowered:
.L_overlay_start_2:
0x9a: {  	(tag) =	ssettag $0x2  }
0x9b: {  	s0 =	rddreg [dreg:$0x0];
	s2 =	stileid.u32  }
0x9c: {  	s1 =	rddreg [dreg:$0x1];
	p0 =	sne.s32 s2, $0x0  }
0x9d: {  	s3 =	rddreg [dreg:$0x2];
	[bflag:$0x3] =	sbarrier.arrive $0xFFFF;
	s2 =	simm.s32 @!p0 $0x1C03  }
0x9e: {  	[timem:s3], [sflag:s2] =	dma.local @!p0 [hbm:s0], s1  }
0x9f: {  	s0 =	simm.s32 @!p0 $0x3  }
0xa0: {  	_ =	swait.ge @!p0 [sflag:s0], s1  }
0xa1: {  	s1 =	ssub.s32 @!p0 $0x0, s1;
	[sflag:s0] =	ssyncset.done @!p0 $0x0  }
0xa2: {  	[sflag:s0] =	ssyncadd.s32 @!p0 s1  }
0xa3: {  	[bflag:$0x3] =	sbarrier.arrive $0xFFFF  }
0xa4: {  	_ =	shalt  }

</sc_bundles>
